<compile_context>
chip_gen: v7x
topology: tpu7x:2x2x1
jax: 0.10.2.dev20260603
libtpu: 0.0.44.dev20260713+nightly
codegen_flags: <defaults>
</compile_context>

<pallas_src>
import functools

import jax
import jax.numpy as jnp
from jax import lax
from jax.experimental import pallas as pl
from jax.experimental.pallas import tpu as pltpu
from jax.experimental.pallas import tpu_sc as plsc

_NUM_CORES = 2
_NUM_SUBCORES = 16
_NUM_WORKERS = _NUM_CORES * _NUM_SUBCORES
_LANES = 16


@functools.partial(jax.jit, static_argnums=(2, 3, 4))
def _position_embedding(row_embed, col_embed, b, h, w):
    d = row_embed.shape[-1]
    nch = 2 * d
    assert h == _NUM_WORKERS and d % _LANES == 0

    mesh = plsc.VectorSubcoreMesh(core_axis_name="c", subcore_axis_name="s")

    @functools.partial(
        pl.kernel,
        mesh=mesh,
        out_type=jax.ShapeDtypeStruct((b, h, w, nch), jnp.float32),
        scratch_types=[
            pltpu.VMEM((w, nch), jnp.float32),
            pltpu.VMEM((1, d), jnp.float32),
            pltpu.SemaphoreType.DMA,
        ],
    )
    def sc_kernel(row_hbm, col_hbm, out_hbm, slab_v, row_v, sem):
        y = lax.axis_index("s") * _NUM_CORES + lax.axis_index("c")
        col_cp = pltpu.make_async_copy(
            col_hbm.at[pl.ds(0, w)], slab_v.at[:, pl.ds(0, d)], sem)
        row_cp = pltpu.make_async_copy(row_hbm.at[pl.ds(y, 1)], row_v, sem)
        col_cp.start()
        row_cp.start()
        col_cp.wait()
        row_cp.wait()

        gs = [row_v[0, pl.ds(j * _LANES, _LANES)] for j in range(d // _LANES)]

        def _fill(xi, carry):
            for j, g in enumerate(gs):
                slab_v[xi, pl.ds(d + j * _LANES, _LANES)] = g
            return carry

        lax.fori_loop(0, w, _fill, 0)

        def _fire(bi, carry):
            pltpu.make_async_copy(slab_v, out_hbm.at[bi, y], sem).start()
            return carry

        def _drain(bi, carry):
            pltpu.make_async_copy(slab_v, out_hbm.at[bi, y], sem).wait()
            return carry

        lax.fori_loop(0, b, _fire, 0)
        lax.fori_loop(0, b, _drain, 0)

    out = sc_kernel(row_embed, col_embed)
    return jnp.transpose(out, (0, 3, 1, 2))


def kernel(x, row_embed, col_embed):
    b = x.shape[0]
    h, w = x.shape[-2], x.shape[-1]
    return _position_embedding(row_embed, col_embed, b, h, w)

# --- scband reference (transcript-rebuilt; emitter-appended) ---
"""Pipeline reference for scband-position-embedding-learned-15960098471993 (READ-ONLY COPY).

The authoritative reference and input builder live on the scoring server;
editing this copy changes nothing except your own understanding.
"""

import jax, jax.numpy as jnp
import numpy as np

NUM_POS_FEATS = 256

def setup_inputs(seed: int = 0) -> dict:
    key = jax.random.key(seed)
    k1, k2, k3 = jax.random.split(key, 3)
    x = jax.random.normal(k1, (16, 768, 32, 32), dtype=jnp.float32)
    # learned embedding tables, init uniform[0,1) per reset_parameters
    row_embed = jax.random.uniform(k2, (50, NUM_POS_FEATS), dtype=jnp.float32)
    col_embed = jax.random.uniform(k3, (50, NUM_POS_FEATS), dtype=jnp.float32)
    return {"x": x, "row_embed": row_embed, "col_embed": col_embed}

def reference(x, row_embed, col_embed):
    b = x.shape[0]
    h, w = x.shape[-2], x.shape[-1]
    i = jnp.arange(w)
    j = jnp.arange(h)
    x_emb = jnp.take(col_embed, i, axis=0)  # [w, d]
    y_emb = jnp.take(row_embed, j, axis=0)  # [h, d]
    d = x_emb.shape[-1]
    x_part = jnp.broadcast_to(x_emb[None, :, :], (h, w, d))  # repeat over rows
    y_part = jnp.broadcast_to(y_emb[:, None, :], (h, w, d))  # repeat over cols
    pos = jnp.concatenate([x_part, y_part], axis=-1)  # [h, w, 2d]
    pos = jnp.transpose(pos, (2, 0, 1))[None, :, :, :]  # [1, 2d, h, w]
    pos = jnp.broadcast_to(pos, (b, 2 * d, h, w))
    return pos

if __name__ == "__main__":
    import jax
    _d = setup_inputs()
    print(jax.jit(kernel)(*tuple(_d.values())))

</pallas_src>

<mosaic_0001>
#map = affine_map<(d0, d1) -> (0, 0)>
#map1 = affine_map<(d0, d1) -> (0, 0, 0, 0)>
module attributes {stable_mosaic.version = 14 : i64} {
  func.func @sc_kernel(%arg0: i32, %arg1: i32, %arg2: memref<50x256xf32, #tpu.memory_space<hbm>>, %arg3: memref<50x256xf32, #tpu.memory_space<hbm>>, %arg4: memref<16x32x32x512xf32, #tpu.memory_space<hbm>>, %arg5: memref<32x512xf32, #tpu.memory_space<vmem>>, %arg6: memref<1x256xf32, #tpu.memory_space<vmem>>, %arg7: memref<!tpu.dma_semaphore, #tpu.memory_space<semaphore_mem>>) attributes {dimension_semantics = [#tpu.dimension_semantics<core_parallel>, #tpu.dimension_semantics<subcore_parallel>], iteration_bounds = array<i64: 2, 16>, scalar_prefetch = 0 : i64, scratch_operands = 3 : i64, tpu.core_type = #tpu.core_type<sc_vector_subcore>, window_params = [{transform_indices = #map}, {transform_indices = #map}, {transform_indices = #map1}]} {
    %mul3A = arith.constant 2 : i32
    %mul3A_0 = arith.muli %arg1, %mul3A : i32
    %add3A = arith.addi %mul3A_0, %arg0 : i32
    %dma_start3A = arith.constant 0 : i32
    %dma_start3A_1 = arith.constant 0 : i32
    %dma_start3A_2 = tpu.memref_slice %arg5[%dma_start3A, %dma_start3A_1] : memref<32x512xf32, #tpu.memory_space<vmem>> -> memref<32x256xf32, #tpu.memory_space<vmem>>
    %dma_start3A_3 = arith.constant 0 : i32
    %dma_start3A_4 = arith.constant 0 : i32
    %dma_start3A_5 = tpu.memref_slice %arg3[%dma_start3A_3, %dma_start3A_4] : memref<50x256xf32, #tpu.memory_space<hbm>> -> memref<32x256xf32, #tpu.memory_space<hbm>>
    %dma_start3A_6 = arith.constant 0 : i32
    %dma_start3A_7 = arith.constant 0 : i32
    %dma_start3A_8 = tpu.memref_slice %arg5[%dma_start3A_6, %dma_start3A_7] : memref<32x512xf32, #tpu.memory_space<vmem>> -> memref<32x256xf32, #tpu.memory_space<vmem>>
    %dma_start3A_9 = arith.constant 0 : i32
    %dma_start3A_10 = arith.constant 0 : i32
    %dma_start3A_11 = tpu.memref_slice %arg3[%dma_start3A_9, %dma_start3A_10] : memref<50x256xf32, #tpu.memory_space<hbm>> -> memref<32x256xf32, #tpu.memory_space<hbm>>
    tpu.enqueue_dma source(%dma_start3A_11 : memref<32x256xf32, #tpu.memory_space<hbm>>) target(%dma_start3A_8 : memref<32x256xf32, #tpu.memory_space<vmem>>) target_semaphore(%arg7 : memref<!tpu.dma_semaphore, #tpu.memory_space<semaphore_mem>>)
    %dma_start3A_12 = arith.constant 0 : i32
    %dma_start3A_13 = tpu.memref_slice %arg2[%add3A, %dma_start3A_12] : memref<50x256xf32, #tpu.memory_space<hbm>> -> memref<1x256xf32, #tpu.memory_space<hbm>>
    %dma_start3A_14 = arith.constant 0 : i32
    %dma_start3A_15 = tpu.memref_slice %arg2[%add3A, %dma_start3A_14] : memref<50x256xf32, #tpu.memory_space<hbm>> -> memref<1x256xf32, #tpu.memory_space<hbm>>
    tpu.enqueue_dma source(%dma_start3A_15 : memref<1x256xf32, #tpu.memory_space<hbm>>) target(%arg6 : memref<1x256xf32, #tpu.memory_space<vmem>>) target_semaphore(%arg7 : memref<!tpu.dma_semaphore, #tpu.memory_space<semaphore_mem>>)
    %dma_wait3A = arith.constant 0 : i32
    %dma_wait3A_16 = arith.constant 0 : i32
    %dma_wait3A_17 = tpu.memref_slice %arg5[%dma_wait3A, %dma_wait3A_16] : memref<32x512xf32, #tpu.memory_space<vmem>> -> memref<32x256xf32, #tpu.memory_space<vmem>>
    %dma_wait3A_18 = arith.constant 0 : i32
    %dma_wait3A_19 = arith.constant 0 : i32
    %dma_wait3A_20 = tpu.memref_slice %arg3[%dma_wait3A_18, %dma_wait3A_19] : memref<50x256xf32, #tpu.memory_space<hbm>> -> memref<32x256xf32, #tpu.memory_space<hbm>>
    %dma_wait3A_21 = arith.constant 0 : i32
    %dma_wait3A_22 = arith.constant 0 : i32
    %dma_wait3A_23 = tpu.memref_slice %arg5[%dma_wait3A_21, %dma_wait3A_22] : memref<32x512xf32, #tpu.memory_space<vmem>> -> memref<32x256xf32, #tpu.memory_space<vmem>>
    %dma_wait3A_24 = arith.constant 0 : i32
    %dma_wait3A_25 = arith.constant 0 : i32
    %dma_wait3A_26 = tpu.memref_slice %arg3[%dma_wait3A_24, %dma_wait3A_25] : memref<50x256xf32, #tpu.memory_space<hbm>> -> memref<32x256xf32, #tpu.memory_space<hbm>>
    tpu.wait_dma2 semaphore(%arg7 : memref<!tpu.dma_semaphore, #tpu.memory_space<semaphore_mem>>) src(%dma_wait3A_26 : memref<32x256xf32, #tpu.memory_space<hbm>>) dst(%dma_wait3A_23 : memref<32x256xf32, #tpu.memory_space<vmem>>)
    %dma_wait3A_27 = arith.constant 0 : i32
    %dma_wait3A_28 = tpu.memref_slice %arg2[%add3A, %dma_wait3A_27] : memref<50x256xf32, #tpu.memory_space<hbm>> -> memref<1x256xf32, #tpu.memory_space<hbm>>
    %dma_wait3A_29 = arith.constant 0 : i32
    %dma_wait3A_30 = tpu.memref_slice %arg2[%add3A, %dma_wait3A_29] : memref<50x256xf32, #tpu.memory_space<hbm>> -> memref<1x256xf32, #tpu.memory_space<hbm>>
    tpu.wait_dma2 semaphore(%arg7 : memref<!tpu.dma_semaphore, #tpu.memory_space<semaphore_mem>>) src(%dma_wait3A_30 : memref<1x256xf32, #tpu.memory_space<hbm>>) dst(%arg6 : memref<1x256xf32, #tpu.memory_space<vmem>>)
    %get3A = arith.constant 0 : i32
    %get3A_31 = arith.index_cast %get3A : i32 to index
    %get3A_32 = arith.constant 0 : index
    %get3A_33 = tpu.vector_load %arg6[%get3A_31, %get3A_32] {strides = array<i32>} : memref<1x256xf32, #tpu.memory_space<vmem>>, vector<1x16xf32>,
    %get3A_34 = vector.shape_cast %get3A_33 : vector<1x16xf32> to vector<16xf32>
    %get3A_35 = arith.constant 0 : i32
    %get3A_36 = arith.index_cast %get3A_35 : i32 to index
    %get3A_37 = arith.constant 16 : index
    %get3A_38 = tpu.vector_load %arg6[%get3A_36, %get3A_37] {strides = array<i32>} : memref<1x256xf32, #tpu.memory_space<vmem>>, vector<1x16xf32>,
    %get3A_39 = vector.shape_cast %get3A_38 : vector<1x16xf32> to vector<16xf32>
    %get3A_40 = arith.constant 0 : i32
    %get3A_41 = arith.index_cast %get3A_40 : i32 to index
    %get3A_42 = arith.constant 32 : index
    %get3A_43 = tpu.vector_load %arg6[%get3A_41, %get3A_42] {strides = array<i32>} : memref<1x256xf32, #tpu.memory_space<vmem>>, vector<1x16xf32>,
    %get3A_44 = vector.shape_cast %get3A_43 : vector<1x16xf32> to vector<16xf32>
    %get3A_45 = arith.constant 0 : i32
    %get3A_46 = arith.index_cast %get3A_45 : i32 to index
    %get3A_47 = arith.constant 48 : index
    %get3A_48 = tpu.vector_load %arg6[%get3A_46, %get3A_47] {strides = array<i32>} : memref<1x256xf32, #tpu.memory_space<vmem>>, vector<1x16xf32>,
    %get3A_49 = vector.shape_cast %get3A_48 : vector<1x16xf32> to vector<16xf32>
    %get3A_50 = arith.constant 0 : i32
    %get3A_51 = arith.index_cast %get3A_50 : i32 to index
    %get3A_52 = arith.constant 64 : index
    %get3A_53 = tpu.vector_load %arg6[%get3A_51, %get3A_52] {strides = array<i32>} : memref<1x256xf32, #tpu.memory_space<vmem>>, vector<1x16xf32>,
    %get3A_54 = vector.shape_cast %get3A_53 : vector<1x16xf32> to vector<16xf32>
    %get3A_55 = arith.constant 0 : i32
    %get3A_56 = arith.index_cast %get3A_55 : i32 to index
    %get3A_57 = arith.constant 80 : index
    %get3A_58 = tpu.vector_load %arg6[%get3A_56, %get3A_57] {strides = array<i32>} : memref<1x256xf32, #tpu.memory_space<vmem>>, vector<1x16xf32>,
    %get3A_59 = vector.shape_cast %get3A_58 : vector<1x16xf32> to vector<16xf32>
    %get3A_60 = arith.constant 0 : i32
    %get3A_61 = arith.index_cast %get3A_60 : i32 to index
    %get3A_62 = arith.constant 96 : index
    %get3A_63 = tpu.vector_load %arg6[%get3A_61, %get3A_62] {strides = array<i32>} : memref<1x256xf32, #tpu.memory_space<vmem>>, vector<1x16xf32>,
    %get3A_64 = vector.shape_cast %get3A_63 : vector<1x16xf32> to vector<16xf32>
    %get3A_65 = arith.constant 0 : i32
    %get3A_66 = arith.index_cast %get3A_65 : i32 to index
    %get3A_67 = arith.constant 112 : index
    %get3A_68 = tpu.vector_load %arg6[%get3A_66, %get3A_67] {strides = array<i32>} : memref<1x256xf32, #tpu.memory_space<vmem>>, vector<1x16xf32>,
    %get3A_69 = vector.shape_cast %get3A_68 : vector<1x16xf32> to vector<16xf32>
    %get3A_70 = arith.constant 0 : i32
    %get3A_71 = arith.index_cast %get3A_70 : i32 to index
    %get3A_72 = arith.constant 128 : index
    %get3A_73 = tpu.vector_load %arg6[%get3A_71, %get3A_72] {strides = array<i32>} : memref<1x256xf32, #tpu.memory_space<vmem>>, vector<1x16xf32>,
    %get3A_74 = vector.shape_cast %get3A_73 : vector<1x16xf32> to vector<16xf32>
    %get3A_75 = arith.constant 0 : i32
    %get3A_76 = arith.index_cast %get3A_75 : i32 to index
    %get3A_77 = arith.constant 144 : index
    %get3A_78 = tpu.vector_load %arg6[%get3A_76, %get3A_77] {strides = array<i32>} : memref<1x256xf32, #tpu.memory_space<vmem>>, vector<1x16xf32>,
    %get3A_79 = vector.shape_cast %get3A_78 : vector<1x16xf32> to vector<16xf32>
    %get3A_80 = arith.constant 0 : i32
    %get3A_81 = arith.index_cast %get3A_80 : i32 to index
    %get3A_82 = arith.constant 160 : index
    %get3A_83 = tpu.vector_load %arg6[%get3A_81, %get3A_82] {strides = array<i32>} : memref<1x256xf32, #tpu.memory_space<vmem>>, vector<1x16xf32>,
    %get3A_84 = vector.shape_cast %get3A_83 : vector<1x16xf32> to vector<16xf32>
    %get3A_85 = arith.constant 0 : i32
    %get3A_86 = arith.index_cast %get3A_85 : i32 to index
    %get3A_87 = arith.constant 176 : index
    %get3A_88 = tpu.vector_load %arg6[%get3A_86, %get3A_87] {strides = array<i32>} : memref<1x256xf32, #tpu.memory_space<vmem>>, vector<1x16xf32>,
    %get3A_89 = vector.shape_cast %get3A_88 : vector<1x16xf32> to vector<16xf32>
    %get3A_90 = arith.constant 0 : i32
    %get3A_91 = arith.index_cast %get3A_90 : i32 to index
    %get3A_92 = arith.constant 192 : index
    %get3A_93 = tpu.vector_load %arg6[%get3A_91, %get3A_92] {strides = array<i32>} : memref<1x256xf32, #tpu.memory_space<vmem>>, vector<1x16xf32>,
    %get3A_94 = vector.shape_cast %get3A_93 : vector<1x16xf32> to vector<16xf32>
    %get3A_95 = arith.constant 0 : i32
    %get3A_96 = arith.index_cast %get3A_95 : i32 to index
    %get3A_97 = arith.constant 208 : index
    %get3A_98 = tpu.vector_load %arg6[%get3A_96, %get3A_97] {strides = array<i32>} : memref<1x256xf32, #tpu.memory_space<vmem>>, vector<1x16xf32>,
    %get3A_99 = vector.shape_cast %get3A_98 : vector<1x16xf32> to vector<16xf32>
    %get3A_100 = arith.constant 0 : i32
    %get3A_101 = arith.index_cast %get3A_100 : i32 to index
    %get3A_102 = arith.constant 224 : index
    %get3A_103 = tpu.vector_load %arg6[%get3A_101, %get3A_102] {strides = array<i32>} : memref<1x256xf32, #tpu.memory_space<vmem>>, vector<1x16xf32>,
    %get3A_104 = vector.shape_cast %get3A_103 : vector<1x16xf32> to vector<16xf32>
    %get3A_105 = arith.constant 0 : i32
    %get3A_106 = arith.index_cast %get3A_105 : i32 to index
    %get3A_107 = arith.constant 240 : index
    %get3A_108 = tpu.vector_load %arg6[%get3A_106, %get3A_107] {strides = array<i32>} : memref<1x256xf32, #tpu.memory_space<vmem>>, vector<1x16xf32>,
    %get3A_109 = vector.shape_cast %get3A_108 : vector<1x16xf32> to vector<16xf32>
    %scan3A = arith.constant 0 : i32
    %scan3A_110 = arith.constant 0 : i32
    %scan3A_111 = arith.constant 32 : i32
    %scan3A_112 = arith.addi %scan3A_110, %scan3A_111 : i32
    %scan3A_113 = arith.constant 1 : i32
    scf.for %scan3A_127 = %scan3A_110 to %scan3A_112 step %scan3A_113  : i32 {
      %swap3A = arith.index_cast %scan3A_127 : i32 to index
      %swap3A_128 = arith.constant 256 : index
      %swap3A_129 = tpu.vector_load %arg5[%swap3A, %swap3A_128] {strides = array<i32>} : memref<32x512xf32, #tpu.memory_space<vmem>>, vector<1x16xf32>,
      %swap3A_130 = vector.shape_cast %swap3A_129 : vector<1x16xf32> to vector<16xf32>
      %swap3A_131 = vector.shape_cast %get3A_34 : vector<16xf32> to vector<1x16xf32>
      tpu.vector_store %arg5[%swap3A, %swap3A_128], %swap3A_131 {strides = array<i32>} : memref<32x512xf32, #tpu.memory_space<vmem>>, vector<1x16xf32>,
      %swap3A_132 = arith.index_cast %scan3A_127 : i32 to index
      %swap3A_133 = arith.constant 272 : index
      %swap3A_134 = tpu.vector_load %arg5[%swap3A_132, %swap3A_133] {strides = array<i32>} : memref<32x512xf32, #tpu.memory_space<vmem>>, vector<1x16xf32>,
      %swap3A_135 = vector.shape_cast %swap3A_134 : vector<1x16xf32> to vector<16xf32>
      %swap3A_136 = vector.shape_cast %get3A_39 : vector<16xf32> to vector<1x16xf32>
      tpu.vector_store %arg5[%swap3A_132, %swap3A_133], %swap3A_136 {strides = array<i32>} : memref<32x512xf32, #tpu.memory_space<vmem>>, vector<1x16xf32>,
      %swap3A_137 = arith.index_cast %scan3A_127 : i32 to index
      %swap3A_138 = arith.constant 288 : index
      %swap3A_139 = tpu.vector_load %arg5[%swap3A_137, %swap3A_138] {strides = array<i32>} : memref<32x512xf32, #tpu.memory_space<vmem>>, vector<1x16xf32>,
      %swap3A_140 = vector.shape_cast %swap3A_139 : vector<1x16xf32> to vector<16xf32>
      %swap3A_141 = vector.shape_cast %get3A_44 : vector<16xf32> to vector<1x16xf32>
      tpu.vector_store %arg5[%swap3A_137, %swap3A_138], %swap3A_141 {strides = array<i32>} : memref<32x512xf32, #tpu.memory_space<vmem>>, vector<1x16xf32>,
      %swap3A_142 = arith.index_cast %scan3A_127 : i32 to index
      %swap3A_143 = arith.constant 304 : index
      %swap3A_144 = tpu.vector_load %arg5[%swap3A_142, %swap3A_143] {strides = array<i32>} : memref<32x512xf32, #tpu.memory_space<vmem>>, vector<1x16xf32>,
      %swap3A_145 = vector.shape_cast %swap3A_144 : vector<1x16xf32> to vector<16xf32>
      %swap3A_146 = vector.shape_cast %get3A_49 : vector<16xf32> to vector<1x16xf32>
      tpu.vector_store %arg5[%swap3A_142, %swap3A_143], %swap3A_146 {strides = array<i32>} : memref<32x512xf32, #tpu.memory_space<vmem>>, vector<1x16xf32>,
      %swap3A_147 = arith.index_cast %scan3A_127 : i32 to index
      %swap3A_148 = arith.constant 320 : index
      %swap3A_149 = tpu.vector_load %arg5[%swap3A_147, %swap3A_148] {strides = array<i32>} : memref<32x512xf32, #tpu.memory_space<vmem>>, vector<1x16xf32>,
      %swap3A_150 = vector.shape_cast %swap3A_149 : vector<1x16xf32> to vector<16xf32>
      %swap3A_151 = vector.shape_cast %get3A_54 : vector<16xf32> to vector<1x16xf32>
      tpu.vector_store %arg5[%swap3A_147, %swap3A_148], %swap3A_151 {strides = array<i32>} : memref<32x512xf32, #tpu.memory_space<vmem>>, vector<1x16xf32>,
      %swap3A_152 = arith.index_cast %scan3A_127 : i32 to index
      %swap3A_153 = arith.constant 336 : index
      %swap3A_154 = tpu.vector_load %arg5[%swap3A_152, %swap3A_153] {strides = array<i32>} : memref<32x512xf32, #tpu.memory_space<vmem>>, vector<1x16xf32>,
      %swap3A_155 = vector.shape_cast %swap3A_154 : vector<1x16xf32> to vector<16xf32>
      %swap3A_156 = vector.shape_cast %get3A_59 : vector<16xf32> to vector<1x16xf32>
      tpu.vector_store %arg5[%swap3A_152, %swap3A_153], %swap3A_156 {strides = array<i32>} : memref<32x512xf32, #tpu.memory_space<vmem>>, vector<1x16xf32>,
      %swap3A_157 = arith.index_cast %scan3A_127 : i32 to index
      %swap3A_158 = arith.constant 352 : index
      %swap3A_159 = tpu.vector_load %arg5[%swap3A_157, %swap3A_158] {strides = array<i32>} : memref<32x512xf32, #tpu.memory_space<vmem>>, vector<1x16xf32>,
      %swap3A_160 = vector.shape_cast %swap3A_159 : vector<1x16xf32> to vector<16xf32>
      %swap3A_161 = vector.shape_cast %get3A_64 : vector<16xf32> to vector<1x16xf32>
      tpu.vector_store %arg5[%swap3A_157, %swap3A_158], %swap3A_161 {strides = array<i32>} : memref<32x512xf32, #tpu.memory_space<vmem>>, vector<1x16xf32>,
      %swap3A_162 = arith.index_cast %scan3A_127 : i32 to index
      %swap3A_163 = arith.constant 368 : index
      %swap3A_164 = tpu.vector_load %arg5[%swap3A_162, %swap3A_163] {strides = array<i32>} : memref<32x512xf32, #tpu.memory_space<vmem>>, vector<1x16xf32>,
      %swap3A_165 = vector.shape_cast %swap3A_164 : vector<1x16xf32> to vector<16xf32>
      %swap3A_166 = vector.shape_cast %get3A_69 : vector<16xf32> to vector<1x16xf32>
      tpu.vector_store %arg5[%swap3A_162, %swap3A_163], %swap3A_166 {strides = array<i32>} : memref<32x512xf32, #tpu.memory_space<vmem>>, vector<1x16xf32>,
      %swap3A_167 = arith.index_cast %scan3A_127 : i32 to index
      %swap3A_168 = arith.constant 384 : index
      %swap3A_169 = tpu.vector_load %arg5[%swap3A_167, %swap3A_168] {strides = array<i32>} : memref<32x512xf32, #tpu.memory_space<vmem>>, vector<1x16xf32>,
      %swap3A_170 = vector.shape_cast %swap3A_169 : vector<1x16xf32> to vector<16xf32>
      %swap3A_171 = vector.shape_cast %get3A_74 : vector<16xf32> to vector<1x16xf32>
      tpu.vector_store %arg5[%swap3A_167, %swap3A_168], %swap3A_171 {strides = array<i32>} : memref<32x512xf32, #tpu.memory_space<vmem>>, vector<1x16xf32>,
      %swap3A_172 = arith.index_cast %scan3A_127 : i32 to index
      %swap3A_173 = arith.constant 400 : index
      %swap3A_174 = tpu.vector_load %arg5[%swap3A_172, %swap3A_173] {strides = array<i32>} : memref<32x512xf32, #tpu.memory_space<vmem>>, vector<1x16xf32>,
      %swap3A_175 = vector.shape_cast %swap3A_174 : vector<1x16xf32> to vector<16xf32>
      %swap3A_176 = vector.shape_cast %get3A_79 : vector<16xf32> to vector<1x16xf32>
      tpu.vector_store %arg5[%swap3A_172, %swap3A_173], %swap3A_176 {strides = array<i32>} : memref<32x512xf32, #tpu.memory_space<vmem>>, vector<1x16xf32>,
      %swap3A_177 = arith.index_cast %scan3A_127 : i32 to index
      %swap3A_178 = arith.constant 416 : index
      %swap3A_179 = tpu.vector_load %arg5[%swap3A_177, %swap3A_178] {strides = array<i32>} : memref<32x512xf32, #tpu.memory_space<vmem>>, vector<1x16xf32>,
      %swap3A_180 = vector.shape_cast %swap3A_179 : vector<1x16xf32> to vector<16xf32>
      %swap3A_181 = vector.shape_cast %get3A_84 : vector<16xf32> to vector<1x16xf32>
      tpu.vector_store %arg5[%swap3A_177, %swap3A_178], %swap3A_181 {strides = array<i32>} : memref<32x512xf32, #tpu.memory_space<vmem>>, vector<1x16xf32>,
      %swap3A_182 = arith.index_cast %scan3A_127 : i32 to index
      %swap3A_183 = arith.constant 432 : index
      %swap3A_184 = tpu.vector_load %arg5[%swap3A_182, %swap3A_183] {strides = array<i32>} : memref<32x512xf32, #tpu.memory_space<vmem>>, vector<1x16xf32>,
      %swap3A_185 = vector.shape_cast %swap3A_184 : vector<1x16xf32> to vector<16xf32>
      %swap3A_186 = vector.shape_cast %get3A_89 : vector<16xf32> to vector<1x16xf32>
      tpu.vector_store %arg5[%swap3A_182, %swap3A_183], %swap3A_186 {strides = array<i32>} : memref<32x512xf32, #tpu.memory_space<vmem>>, vector<1x16xf32>,
      %swap3A_187 = arith.index_cast %scan3A_127 : i32 to index
      %swap3A_188 = arith.constant 448 : index
      %swap3A_189 = tpu.vector_load %arg5[%swap3A_187, %swap3A_188] {strides = array<i32>} : memref<32x512xf32, #tpu.memory_space<vmem>>, vector<1x16xf32>,
      %swap3A_190 = vector.shape_cast %swap3A_189 : vector<1x16xf32> to vector<16xf32>
      %swap3A_191 = vector.shape_cast %get3A_94 : vector<16xf32> to vector<1x16xf32>
      tpu.vector_store %arg5[%swap3A_187, %swap3A_188], %swap3A_191 {strides = array<i32>} : memref<32x512xf32, #tpu.memory_space<vmem>>, vector<1x16xf32>,
      %swap3A_192 = arith.index_cast %scan3A_127 : i32 to index
      %swap3A_193 = arith.constant 464 : index
      %swap3A_194 = tpu.vector_load %arg5[%swap3A_192, %swap3A_193] {strides = array<i32>} : memref<32x512xf32, #tpu.memory_space<vmem>>, vector<1x16xf32>,
      %swap3A_195 = vector.shape_cast %swap3A_194 : vector<1x16xf32> to vector<16xf32>
      %swap3A_196 = vector.shape_cast %get3A_99 : vector<16xf32> to vector<1x16xf32>
      tpu.vector_store %arg5[%swap3A_192, %swap3A_193], %swap3A_196 {strides = array<i32>} : memref<32x512xf32, #tpu.memory_space<vmem>>, vector<1x16xf32>,
      %swap3A_197 = arith.index_cast %scan3A_127 : i32 to index
      %swap3A_198 = arith.constant 480 : index
      %swap3A_199 = tpu.vector_load %arg5[%swap3A_197, %swap3A_198] {strides = array<i32>} : memref<32x512xf32, #tpu.memory_space<vmem>>, vector<1x16xf32>,
      %swap3A_200 = vector.shape_cast %swap3A_199 : vector<1x16xf32> to vector<16xf32>
      %swap3A_201 = vector.shape_cast %get3A_104 : vector<16xf32> to vector<1x16xf32>
      tpu.vector_store %arg5[%swap3A_197, %swap3A_198], %swap3A_201 {strides = array<i32>} : memref<32x512xf32, #tpu.memory_space<vmem>>, vector<1x16xf32>,
      %swap3A_202 = arith.index_cast %scan3A_127 : i32 to index
      %swap3A_203 = arith.constant 496 : index
      %swap3A_204 = tpu.vector_load %arg5[%swap3A_202, %swap3A_203] {strides = array<i32>} : memref<32x512xf32, #tpu.memory_space<vmem>>, vector<1x16xf32>,
      %swap3A_205 = vector.shape_cast %swap3A_204 : vector<1x16xf32> to vector<16xf32>
      %swap3A_206 = vector.shape_cast %get3A_109 : vector<16xf32> to vector<1x16xf32>
      tpu.vector_store %arg5[%swap3A_202, %swap3A_203], %swap3A_206 {strides = array<i32>} : memref<32x512xf32, #tpu.memory_space<vmem>>, vector<1x16xf32>,
    }
    %scan3A_114 = arith.constant 32 : i32
    %scan3A_115 = arith.constant 0 : i32
    %scan3A_116 = arith.constant 0 : i32
    %scan3A_117 = arith.constant 16 : i32
    %scan3A_118 = arith.addi %scan3A_116, %scan3A_117 : i32
    %scan3A_119 = arith.constant 1 : i32
    scf.for %scan3A_127 = %scan3A_116 to %scan3A_118 step %scan3A_119  : i32 {
      %dma_start3A_128 = arith.constant 0 : i32
      %dma_start3A_129 = arith.constant 0 : i32
      %dma_start3A_130 = tpu.memref_slice %arg4[%scan3A_127, %add3A, %dma_start3A_128, %dma_start3A_129] : memref<16x32x32x512xf32, #tpu.memory_space<hbm>> -> memref<1x1x32x512xf32, #tpu.memory_space<hbm>>
      %dma_start3A_131 = tpu.memref_squeeze %dma_start3A_130 : memref<1x1x32x512xf32, #tpu.memory_space<hbm>> -> memref<32x512xf32, #tpu.memory_space<hbm>>
      %dma_start3A_132 = arith.constant 0 : i32
      %dma_start3A_133 = arith.constant 0 : i32
      %dma_start3A_134 = tpu.memref_slice %arg4[%scan3A_127, %add3A, %dma_start3A_132, %dma_start3A_133] : memref<16x32x32x512xf32, #tpu.memory_space<hbm>> -> memref<1x1x32x512xf32, #tpu.memory_space<hbm>>
      %dma_start3A_135 = tpu.memref_squeeze %dma_start3A_134 : memref<1x1x32x512xf32, #tpu.memory_space<hbm>> -> memref<32x512xf32, #tpu.memory_space<hbm>>
      tpu.enqueue_dma source(%arg5 : memref<32x512xf32, #tpu.memory_space<vmem>>) target(%dma_start3A_135 : memref<32x512xf32, #tpu.memory_space<hbm>>) target_semaphore(%arg7 : memref<!tpu.dma_semaphore, #tpu.memory_space<semaphore_mem>>)
    }
    %scan3A_120 = arith.constant 16 : i32
    %scan3A_121 = arith.constant 0 : i32
    %scan3A_122 = arith.constant 0 : i32
    %scan3A_123 = arith.constant 16 : i32
    %scan3A_124 = arith.addi %scan3A_122, %scan3A_123 : i32
    %scan3A_125 = arith.constant 1 : i32
    scf.for %scan3A_127 = %scan3A_122 to %scan3A_124 step %scan3A_125  : i32 {
      %dma_wait3A_128 = arith.constant 0 : i32
      %dma_wait3A_129 = arith.constant 0 : i32
      %dma_wait3A_130 = tpu.memref_slice %arg4[%scan3A_127, %add3A, %dma_wait3A_128, %dma_wait3A_129] : memref<16x32x32x512xf32, #tpu.memory_space<hbm>> -> memref<1x1x32x512xf32, #tpu.memory_space<hbm>>
      %dma_wait3A_131 = tpu.memref_squeeze %dma_wait3A_130 : memref<1x1x32x512xf32, #tpu.memory_space<hbm>> -> memref<32x512xf32, #tpu.memory_space<hbm>>
      %dma_wait3A_132 = arith.constant 0 : i32
      %dma_wait3A_133 = arith.constant 0 : i32
      %dma_wait3A_134 = tpu.memref_slice %arg4[%scan3A_127, %add3A, %dma_wait3A_132, %dma_wait3A_133] : memref<16x32x32x512xf32, #tpu.memory_space<hbm>> -> memref<1x1x32x512xf32, #tpu.memory_space<hbm>>
      %dma_wait3A_135 = tpu.memref_squeeze %dma_wait3A_134 : memref<1x1x32x512xf32, #tpu.memory_space<hbm>> -> memref<32x512xf32, #tpu.memory_space<hbm>>
      tpu.wait_dma2 semaphore(%arg7 : memref<!tpu.dma_semaphore, #tpu.memory_space<semaphore_mem>>) src(%arg5 : memref<32x512xf32, #tpu.memory_space<vmem>>) dst(%dma_wait3A_135 : memref<32x512xf32, #tpu.memory_space<hbm>>)
    }
    %scan3A_126 = arith.constant 16 : i32
    return
  }
}

</mosaic_0001>

<sc_bundles>
// kernel: _position_embedding.3.cloned.1.call-start
scs
__scs_entry_jumppad:
0x0: {  	(pc) =	sbr.rel $0x88, $3  }
0x1: {  	(tag) =	ssettag $0x0;
	lr =	simm.s32 $0x1  }
0x2: {  	[smem:$0x3F9F] =	sst lr;
	_ =	strace $0xD0000000  }
0x3: {  	_ = 	snop  }
0x4: {  	_ = 	snop  }
0x5: {  	_ = 	snop  }
0x6: {  	_ = 	snop  }
0x7: {  	_ = 	snop  }
__scs_overlays_trampoline_lowered:
0x8: {  	[smem:$0x3FAE] =	sst s0  }
0x9: {  	[smem:$0x3FAF] =	sst s1  }
0xa: {  	[smem:$0x3FB0] =	sst s2  }
0xb: {  	[smem:$0x3FB1] =	sst s3  }
0xc: {  	[smem:$0x3FB2] =	sst s4  }
0xd: {  	[smem:$0x3FB3] =	sst s5  }
0xe: {  	[smem:$0x3FB4] =	sst s6  }
0xf: {  	[smem:$0x3FB5] =	sst s7  }
0x10: {  	[smem:$0x3FB6] =	sst s8  }
0x11: {  	[smem:$0x3FB7] =	sst s9;
	s0 =	simm.s32 @!p0 $0x0  }
0x12: {  	s1 =	sld [smem:$0x3F9D];
	s0 =	simm.s32 @p0 $0x1  }
0x13: {  	[smem:$0x3FB8] =	sst s0;
	s0 =	simm.s32 @!p1 $0x0  }
0x14: {  	s2 =	sld [smem:$0x3F9C];
	s0 =	simm.s32 @p1 $0x1  }
0x15: {  	[smem:$0x3FB9] =	sst s0;
	s0 =	simm.s32 @!p2 $0x0  }
0x16: {  	s3 =	sld [smem:$0x3FDB];
	s0 =	simm.s32 @p2 $0x1  }
0x17: {  	s4 =	simm.s32 $0x1BF5;
	[smem:$0x3FBB] =	sst s0  }
0x18: {  	s0 =	sld [smem:$0x3F9E];
	_ =	swait.ge [sflag:s4], $0x0  }
0x19: {  	s7 =	sld [smem:$0x3F9F]  }
0x1a: {  	s8 =	sadd.s32 $0xFFFFE003, lr  }
0x1b: {  	s9 =	sadd.s32 $0xFFFFFEF7, lr;
	s5 =	simm.s32 $0xFFFFFFFF;
	p2 =	slt.u32 s8, $0xFFFFF086  }
0x1c: {  	p1 =	slt.u32 s9, $0xF7A;
	s5 =	simm.s32 @!p2 $0x0  }
0x1d: {  	s5 =	simm.s32 @p1 $0x1;
	p0 =	seq.s32 s7, s2  }
0x1e: {  	s7 =	smul.u32 @!p0 $0xF7A, s2;
	p2 =	seq.s32 @!p0 s5, $0x0  }
0x1f: {  	s9 =	smul.u32 $0xF7A, s1;
	s8 =	simm.s32 @!p0 $0x1BF5;
	p2 =	por !p2, p0  }
0x20: {  	[sflag:s8] =	ssyncset.s32 @!p0 $0xFFFFF086;
	s6 =	sadd.s32 @!p0 s3, s7;
	s7 =	simm.s32 @!p0 $0x108  }
0x21: {  	s3 =	sadd.s32 s3, s9;
	s6 =	sadd.s32 @!p0 $0x88, s6;
	s7 =	simm.s32 @p2 $0x1082  }
0x22: {  	[simem:s7], [sflag:s8] =	dma.local @!p0 [hbm:s6], $0xF7A  }
0x23: {  	s9 =	sor.u32 $0xD0000000, s2;
	s6 =	simm.s32 $0x108;
	_ =	swait.ge @!p0 [sflag:s8], $0x0  }
0x24: {  	s3 =	sadd.s32 $0x88, s3;
	s6 =	simm.s32 @!p1 $0x1082;
	[sflag:s4] =	ssyncset.s32 $0xFFFFF086  }
0x25: {  	[simem:s6], [sflag:s4] =	dma.local [hbm:s3], $0xF7A  }
0x26: {  	[smem:$0x3F9F] =	sst s1;
	(tag) =	ssettag s2;
	_ =	strace s9  }
0x27: {  	s1 =	sld [smem:$0x3FAF]  }
0x28: {  	s2 =	sld [smem:$0x3FB0]  }
0x29: {  	s4 =	sld [smem:$0x3FB2]  }
0x2a: {  	p0 =	seq.s32 s5, $0x0;
	s5 =	sld [smem:$0x3FB3]  }
0x2b: {  	s6 =	sld [smem:$0x3FB4]  }
0x2c: {  	s7 =	sld [smem:$0x3FB5]  }
0x2d: {  	s3 =	simm.s32 $0x108;
	s8 =	sld [smem:$0x3FB6]  }
0x2e: {  	s3 =	simm.s32 @!p0 $0x1082;
	s9 =	sld [smem:$0x3FB7]  }
0x2f: {  	lr =	sadd.s32 s0, s3;
	s0 =	sld [smem:$0x3FAE]  }
0x30: {  	s3 =	sld [smem:$0x3FB1]  }
0x31: {  	[smem:$0x3FBA] =	sst s10  }
0x32: {  	s10 =	sld [smem:$0x3FB8];
	_ =	sdelay $0x3  }
0x33: {  	p0 =	seq.s32 s10, $0x1;
	s10 =	sld [smem:$0x3FBA];
	_ =	sdelay $0x3  }
0x34: {  	[smem:$0x3FBA] =	sst s10  }
0x35: {  	s10 =	sld [smem:$0x3FB9];
	_ =	sdelay $0x3  }
0x36: {  	p1 =	seq.s32 s10, $0x1;
	s10 =	sld [smem:$0x3FBA];
	_ =	sdelay $0x3  }
0x37: {  	[smem:$0x3FBA] =	sst s10  }
0x38: {  	s10 =	sld [smem:$0x3FBB]  }
0x39: {  	_ = 	snop;
	(pc) =	sbr.ind lr, $3  }
0x3a: {  	_ = 	snop  }
0x3b: {  	_ = 	snop  }
0x3c: {  	p2 =	seq.s32 s10, $0x1;
	s10 =	sld [smem:$0x3FBA]  }
0x3d: {  	_ =	shalt  }
0x3e: {  	_ =	shalt  }
0x3f: {  	_ =	shalt  }
0x40: {  	_ =	shalt  }
0x41: {  	_ =	shalt  }
0x42: {  	_ =	shalt  }
0x43: {  	_ =	shalt  }
0x44: {  	_ =	shalt  }
0x45: {  	_ =	shalt  }
0x46: {  	_ =	shalt  }
0x47: {  	_ =	shalt  }
0x48: {  	_ =	shalt  }
0x49: {  	_ =	shalt  }
0x4a: {  	_ =	shalt  }
0x4b: {  	_ =	shalt  }
0x4c: {  	_ =	shalt  }
0x4d: {  	_ =	shalt  }
0x4e: {  	_ =	shalt  }
0x4f: {  	_ =	shalt  }
0x50: {  	_ =	shalt  }
0x51: {  	_ =	shalt  }
0x52: {  	_ =	shalt  }
0x53: {  	_ =	shalt  }
0x54: {  	_ =	shalt  }
0x55: {  	_ =	shalt  }
0x56: {  	_ =	shalt  }
0x57: {  	_ =	shalt  }
0x58: {  	_ =	shalt  }
0x59: {  	_ =	shalt  }
0x5a: {  	_ =	shalt  }
0x5b: {  	_ =	shalt  }
0x5c: {  	_ =	shalt  }
0x5d: {  	_ =	shalt  }
0x5e: {  	_ =	shalt  }
0x5f: {  	_ =	shalt  }
0x60: {  	_ =	shalt  }
0x61: {  	_ =	shalt  }
0x62: {  	_ =	shalt  }
0x63: {  	_ =	shalt  }
0x64: {  	_ =	shalt  }
0x65: {  	_ =	shalt  }
0x66: {  	_ =	shalt  }
0x67: {  	_ =	shalt  }
0x68: {  	_ =	shalt  }
0x69: {  	_ =	shalt  }
0x6a: {  	_ =	shalt  }
0x6b: {  	_ =	shalt  }
0x6c: {  	_ =	shalt  }
0x6d: {  	_ =	shalt  }
0x6e: {  	_ =	shalt  }
0x6f: {  	_ =	shalt  }
0x70: {  	_ =	shalt  }
0x71: {  	_ =	shalt  }
0x72: {  	_ =	shalt  }
0x73: {  	_ =	shalt  }
0x74: {  	_ =	shalt  }
0x75: {  	_ =	shalt  }
0x76: {  	_ =	shalt  }
0x77: {  	_ =	shalt  }
0x78: {  	_ =	shalt  }
0x79: {  	_ =	shalt  }
0x7a: {  	_ =	shalt  }
0x7b: {  	_ =	shalt  }
0x7c: {  	_ =	shalt  }
0x7d: {  	_ =	shalt  }
0x7e: {  	_ =	shalt  }
0x7f: {  	_ =	shalt  }
0x80: {  	_ =	shalt  }
0x81: {  	_ =	shalt  }
0x82: {  	_ =	shalt  }
0x83: {  	_ =	shalt  }
0x84: {  	_ =	shalt  }
0x85: {  	_ =	shalt  }
0x86: {  	_ =	shalt  }
0x87: {  	_ =	shalt  }
.Lfunc_end0:
.L_simem_size_0:
called_computation_lowered:
.L_overlay_start_0:
0x88: {  	s2 =	sld [smem:$0x3FD9]  }
0x89: {  	s3 =	sld [smem:$0x3FFE];
	_ =	sdelay $0x1  }
0x8a: {  	s1 =	srdreg.scid  }
0x8b: {  	s0 =	sand.u32 $0x1, s1  }
0x8c: {  	s18 =	sshll.u32 s0, $0xA;
	s2 =	sadd.s32 s3, s2  }
0x8d: {  	s2 =	sadd.s32 s2, s18  }
0x8e: {  	[smem:$0x3FC6] =	sst s2  }
0x8f: {  	_ = 	snop  }
0x90: {  	s2 =	sld [smem:$0x3FC9]  }
0x91: {  	s19 =	sld [smem:$0x3FC8]  }
0x92: {  	s4 =	sld [smem:$0x3FD0];
	(tm) =	ssettm $0x1  }
0x93: {  	s5 =	sld [smem:$0x3FFB];
	_ =	sdelay $0x3  }
0x94: {  	_ =	strace s5  }
0x95: {  	s5 =	sld [smem:$0x3FFC];
	_ =	sdelay $0x3  }
0x96: {  	_ =	strace s5  }
0x97: {  	s5 =	sld [smem:$0x3FFD];
	_ =	sdelay $0x3  }
0x98: {  	_ =	strace s5  }
0x99: {  	_ =	strace $0x8FFFFFFF  }
0x9a: {  	s20 =	sld [smem:$0x3FDB];
	_ =	sdelay $0x1  }
0x9b: {  	s6 =	simm.s32 $_scs_section_size  }
0x9c: {  	s7 =	simm.s32 $_size__tile_overlayer_lowered;
	s8 =	simm.s32 $_tile_overlayer_lowered  }
0x9d: {  	s23 =	simm.s32 $0x1BFF;
	s22 =	sshll.u32 s8, $0x1;
	s5 =	sadd.s32 s6, s20  }
0x9e: {  	s9 =	simm.s32 $0x0;
	s21 =	sshll.u32 s7, $0x1;
	s7 =	sadd.s32 s22, s5  }
0x9f: {  	[timem:s9], [sflag:s23] =	dma.local [hbm:s7], s21  }
0xa0: {  	_ =	swait.ge [sflag:s23], s21  }
0xa1: {  	s6 =	ssub.s32 $0x0, s21;
	[sflag:s23] =	ssyncset.done $0x0  }
0xa2: {  	[sflag:s23] =	ssyncadd.s32 s6;
	_ =	sdelay $0x1  }
0xa3: {  	s24 =	simm.s32 $0x1B8B  }
0xa4: {  	_ =	swait.ge [sflag:s24], $0x1  }
0xa5: {  	[sflag:s24] =	ssyncset.done $0x0  }
0xa6: {  	s25 =	simm.s32 $0x1B8E;
	[sflag:s24] =	ssyncadd.s32 $0xFFFFFFFF  }
0xa7: {  	s26 =	simm.s32 $execute0_lowered;
	[smem:$0x3FD2] =	sst s25  }
0xa8: {  	s6 =	sshll.u32 s26, $0x1;
	_ =	strace $0x80000046;
	[dreg:$0x1] =	wrdreg $0xFFFFFFFF  }
0xa9: {  	s28 =	simm.s32 $_size_execute0_lowered;
	s5 =	sadd.s32 s5, s6;
	[dreg:$0x0] =	wrdreg $0x0  }
0xaa: {  	s6 =	sshll.u32 s28, $0x1;
	[dreg:$0x2] =	wrdreg s5  }
0xab: {  	[dreg:$0x3] =	wrdreg s6  }
0xac: {  	[dreg:$0x4] =	wrdreg $0xC0  }
0xad: {  	_ =	task [dreg:s9], $0x5FFFF  }
0xae: {  	[dreg:$0x1] =	wrdreg $0xFFFFFFFF  }
0xaf: {  	[dreg:$0x0] =	wrdreg $0x60  }
0xb0: {  	[dreg:$0x2] =	wrdreg s2  }
0xb1: {  	[dreg:$0x3] =	wrdreg s19  }
0xb2: {  	[dreg:$0x4] =	wrdreg s4  }
0xb3: {  	[dreg:$0x5] =	wrdreg $0x9  }
0xb4: {  	_ =	task.clear_ibuf [dreg:s9], $0x6FFFF;
	_ =	strace $0x90000046  }
0xb5: {  	s29 =	simm.s32 $0x9;
	_ =	strace $0x80000048  }
0xb6: {  	_ =	swait.ge [sflag:s29], $0x1  }
0xb7: {  	[sflag:s29] =	ssyncadd.s32 $0xFFFFFFFF  }
0xb8: {  	_ =	strace $0x90000048  }
0xb9: {  	_ =	sfence  }
0xba: {  	s30 =	sld [smem:$0x0];
	_ =	sdelay $0x2  }
0xbb: {  	s31 =	sshll.u32 s1, $0xD;
	s1 =	sshrl.u32 s1, $0x2  }
0xbc: {  	s3 =	sand.u32 $0x4000, s31;
	s1 =	sadd.s32 s1, s30  }
0xbd: {  	s0 =	sor.u32 s3, s0;
	s1 =	sshll.u32 s1, $0x11  }
0xbe: {  	s0 =	sor.u32 s1, s0  }
0xbf: {  	s0 =	sadd.s32 $0x8F2B, s0  }
0xc0: {  	[sflag:s0] =	ssyncadd.remote.s32 $0x1  }
0xc1: {  	_ =	sfence.sel $0xFFFF  }
0xc2: {  	[dreg:$0x0] =	wrdreg $0xFFFFFFFF;
	(pc) =	sbr.abs _section_cstart, $3  }
0xc3: {  	[dreg:$0x1] =	wrdreg $0xFFFFFFFF  }
0xc4: {  	_ =	task.clear_ibuf [dreg:s9], $0x2FFFF;
	_ =	strace $0x9FFFFFFF  }
0xc5: {  	(tm) =	ssettm $0x7FFFFFFF  }
tec
execute0_lowered:
.L_overlay_start_1:
0x0: {  	(tag) =	ssettag $0x1  }
0x1: {  	s0 =	rddreg [dreg:$0x0]  }
0x2: {  	s9 =	rddreg [dreg:$0x1]  }
0x3: {  	s1 =	rddreg [dreg:$0x2]  }
0x4: {  	s3 =	simm.s32 $0x0;
	s2 =	srdreg.scid;
	s6 =	stileid.u32  }
0x5: {  	s30 =	simm.s32 $0x400;
	s31 =	simm.s32 $0x4000;
	[smem:$0x7FF] =	sst s3  }
0x6: {  	s2 =	sand.u32 $0x1, s2;
	s4 =	sshll.u32 s6, $0x1;
	s28 =	sshll.u32 s6, $0x6  }
0x7: {  	s8 =	sadd.s32 $0x200, s9;
	_ =	strace $0x80000047;
	s5 =	ssub.s32 $0x2, s2  }
0x8: {  	s2 =	sor.u32 s2, s4;
	s4 =	sand.u32 $0x300, s28;
	s29 =	sshrl.u32 s5, $0x1  }
0x9: {  	s7 =	sshll.u32 s2, $0x4;
	s0 =	sadd.s32 s0, s4;
	s2 =	sshll.u32 s2, $0xB  }
0xa: {  	s7 =	sand.u32 $0x70, s7;
	s6 =	ssub.s32 s5, s29;
	s5 =	sadd.s32 s1, s2  }
0xb: {  	s2 =	simm.s32 $0x0;
	s4 =	sadd.s32 s7, s0;
	s6 =	smax.u32 s6, $0x1  }
0xc: {  	s7 =	sadd.s32 $0x100, s9;
	s9 =	sadd.s32 $0x300, s9;
	s10 =	sadd.s32 $0x10000, s5  }
0xd: {  	s11 =	sadd.s32 $0x20000, s5;
	s12 =	sadd.s32 $0x30000, s5;
	s13 =	sadd.s32 $0x40000, s5  }
0xe: {  	s14 =	sadd.s32 $0x50000, s5;
	s15 =	sadd.s32 $0x60000, s5;
	s16 =	sadd.s32 $0x70000, s5  }
0xf: {  	s17 =	sadd.s32 $0x80000, s5;
	s18 =	sadd.s32 $0x90000, s5;
	s19 =	sadd.s32 $0xA0000, s5  }
0x10: {  	s20 =	sadd.s32 $0xB0000, s5;
	s21 =	sadd.s32 $0xC0000, s5;
	s22 =	sadd.s32 $0xD0000, s5  }
0x11: {  	s23 =	sadd.s32 $0xE0000, s5;
	s24 =	sadd.s32 $0xF0000, s5;
	s0 =	simm.s32 $0x1  }
.LBB2_1:
0x12: {  	s1 =	rddreg [dreg:$0x1]  }
0x13: {  	[tilespmem:s3], [sflag:$0x1] =	stream.linear.gather [hbm4b:s1+s3], $0x800, $0x38;
	[tilespmem:$0x4100] =	vst v63  }
0x14: {  	s26 =	simm.s32 $0x1000  }
0x15: {  	[tilespmem:s26], [sflag:$0x1] =	stream.linear.gather [hbm4b:s7+s3], $0x800, $0x38;
	[tilespmem:$0x4100] =	vst v63  }
0x16: {  	s25 =	simm.s32 $0x2000  }
0x17: {  	[tilespmem:s25], [sflag:$0x1] =	stream.linear.gather [hbm4b:s8+s3], $0x800, $0x38;
	[tilespmem:$0x4100] =	vst v63  }
0x18: {  	s26 =	simm.s32 $0x3000  }
0x19: {  	[tilespmem:s26], [sflag:$0x1] =	stream.linear.gather [hbm4b:s9+s3], $0x800, $0x38;
	[tilespmem:$0x4100] =	vst v63  }
0x1a: {  	s25 =	simm.s32 $0x80  }
0x1b: {  	[tilespmem:s31], [sflag:$0x1] =	stream.strided.gather [hbm4b:s4+s25], $0x100, s30, s25, $0x38;
	[tilespmem:$0x4100] =	vst v63  }
0x1c: {  	_ =	swait.ge [sflag:s0], $0x2000  }
0x1d: {  	[sflag:s0] =	ssyncset.done $0x0  }
0x1e: {  	[sflag:s0] =	ssyncadd.s32 $0xFFFFE000  }
0x1f: {  	_ =	swait.ge [sflag:s0], $0x100  }
0x20: {  	[sflag:s0] =	ssyncset.done $0x0  }
0x21: {  	[sflag:s0] =	ssyncadd.s32 $0xFFFFFF00  }
0x22: {  	v0 =	vld [tilespmem:$0x4000]  }
0x23: {  	v1 =	vld [tilespmem:$0x4010]  }
0x24: {  	v2 =	vld [tilespmem:$0x4020]  }
0x25: {  	v3 =	vld [tilespmem:$0x4030]  }
0x26: {  	v4 =	vld [tilespmem:$0x4040]  }
0x27: {  	v5 =	vld [tilespmem:$0x4050]  }
0x28: {  	v6 =	vld [tilespmem:$0x4060]  }
0x29: {  	v7 =	vld [tilespmem:$0x4070]  }
0x2a: {  	v8 =	vld [tilespmem:$0x4080]  }
0x2b: {  	v9 =	vld [tilespmem:$0x4090]  }
0x2c: {  	v15 =	vld [tilespmem:$0x40F0]  }
0x2d: {  	v10 =	vld [tilespmem:$0x40A0]  }
0x2e: {  	v11 =	vld [tilespmem:$0x40B0]  }
0x2f: {  	s26 =	sand.u32 $0x3000, s3;
	s25 =	sand.u32 $0x380, s3;
	v12 =	vld [tilespmem:$0x40C0]  }
0x30: {  	s1 =	sor.u32 s25, s26;
	v13 =	vld [tilespmem:$0x40D0]  }
0x31: {  	v14 =	vld [tilespmem:$0x40E0];
	[tilespmem:s1+$0xC70] =	vst v15  }
0x32: {  	[tilespmem:s1+$0x800] =	vst v0  }
0x33: {  	[tilespmem:s1+$0x810] =	vst v1  }
0x34: {  	[tilespmem:s1+$0x820] =	vst v2  }
0x35: {  	[tilespmem:s1+$0x830] =	vst v3  }
0x36: {  	[tilespmem:s1+$0x840] =	vst v4  }
0x37: {  	[tilespmem:s1+$0x850] =	vst v5  }
0x38: {  	[tilespmem:s1+$0x860] =	vst v6  }
0x39: {  	[tilespmem:s1+$0x870] =	vst v7  }
0x3a: {  	[tilespmem:s1+$0xC00] =	vst v8  }
0x3b: {  	[tilespmem:s1+$0xC10] =	vst v9  }
0x3c: {  	[tilespmem:s1+$0xC20] =	vst v10  }
0x3d: {  	[tilespmem:s1+$0xC30] =	vst v11  }
0x3e: {  	s26 =	simm.s32 $0x200;
	s25 =	simm.s32 $0x80;
	[tilespmem:s1+$0xC40] =	vst v12  }
0x3f: {  	s28 =	sand.u32 $0x3000, s26;
	s29 =	sand.u32 $0x380, s25;
	s26 =	simm.s32 $0x400;
	[tilespmem:s1+$0xC50] =	vst v13  }
.LBB2_2:
0x40: {  	p0 =	sne.s32 s26, $0x3E00;
	[tilespmem:s1+$0xC60] =	vst v14;
	s1 =	sor.u32 s29, s28  }
0x41: {  	[tilespmem:s1+$0xC70] =	vst v15  }
0x42: {  	[tilespmem:s1+$0x800] =	vst v0  }
0x43: {  	[tilespmem:s1+$0x810] =	vst v1  }
0x44: {  	[tilespmem:s1+$0x820] =	vst v2  }
0x45: {  	[tilespmem:s1+$0x830] =	vst v3  }
0x46: {  	[tilespmem:s1+$0x840] =	vst v4  }
0x47: {  	[tilespmem:s1+$0x850] =	vst v5  }
0x48: {  	[tilespmem:s1+$0x860] =	vst v6  }
0x49: {  	[tilespmem:s1+$0x870] =	vst v7  }
0x4a: {  	[tilespmem:s1+$0xC00] =	vst v8  }
.Ltmp0:
0x4b: {  	[tilespmem:s1+$0xC10] =	vst v9;
	(pc) =	sbr.rel @p0 .LBB2_2-.Ltmp0, $4  }
0x4c: {  	[tilespmem:s1+$0xC20] =	vst v10  }
0x4d: {  	[tilespmem:s1+$0xC30] =	vst v11  }
0x4e: {  	s25 =	sadd.s32 $0x80, s25;
	[tilespmem:s1+$0xC40] =	vst v12  }
0x4f: {  	s28 =	sand.u32 $0x3000, s26;
	s26 =	sadd.s32 $0x200, s26;
	s29 =	sand.u32 $0x380, s25;
	[tilespmem:s1+$0xC50] =	vst v13  }
0x50: {  	s25 =	sor.u32 s29, s28;
	[tilespmem:s1+$0xC60] =	vst v14  }
0x51: {  	[tilespmem:s25+$0xC70] =	vst v15  }
0x52: {  	[tilespmem:s25+$0x800] =	vst v0  }
0x53: {  	[tilespmem:s25+$0x810] =	vst v1  }
0x54: {  	[tilespmem:s25+$0x820] =	vst v2  }
0x55: {  	[tilespmem:s25+$0x830] =	vst v3  }
0x56: {  	[tilespmem:s25+$0x840] =	vst v4  }
0x57: {  	[tilespmem:s25+$0x850] =	vst v5  }
0x58: {  	[tilespmem:s25+$0x860] =	vst v6  }
0x59: {  	[tilespmem:s25+$0x870] =	vst v7  }
0x5a: {  	[tilespmem:s25+$0xC00] =	vst v8  }
0x5b: {  	[tilespmem:s25+$0xC10] =	vst v9  }
0x5c: {  	[tilespmem:s25+$0xC20] =	vst v10  }
0x5d: {  	[tilespmem:s25+$0xC30] =	vst v11  }
0x5e: {  	[tilespmem:s25+$0xC40] =	vst v12  }
0x5f: {  	[tilespmem:s25+$0xC50] =	vst v13  }
0x60: {  	[tilespmem:s25+$0xC60] =	vst v14  }
0x61: {  	[hbm4b:s5+s3] =	stream.linear.scatter [tilespmem:s3], [sflag:$0x1], $0x4000, $0x38;
	[tilespmem:$0x4100] =	vst v63  }
0x62: {  	_ = 	snop  }
0x63: {  	[hbm4b:s10+s3] =	stream.linear.scatter [tilespmem:s3], [sflag:$0x1], $0x4000, $0x38;
	[tilespmem:$0x4100] =	vst v63  }
0x64: {  	_ = 	snop  }
0x65: {  	[hbm4b:s11+s3] =	stream.linear.scatter [tilespmem:s3], [sflag:$0x1], $0x4000, $0x38;
	[tilespmem:$0x4100] =	vst v63  }
0x66: {  	_ = 	snop  }
0x67: {  	[hbm4b:s12+s3] =	stream.linear.scatter [tilespmem:s3], [sflag:$0x1], $0x4000, $0x38;
	[tilespmem:$0x4100] =	vst v63  }
0x68: {  	_ = 	snop  }
0x69: {  	[hbm4b:s13+s3] =	stream.linear.scatter [tilespmem:s3], [sflag:$0x1], $0x4000, $0x38;
	[tilespmem:$0x4100] =	vst v63  }
0x6a: {  	_ = 	snop  }
0x6b: {  	[hbm4b:s14+s3] =	stream.linear.scatter [tilespmem:s3], [sflag:$0x1], $0x4000, $0x38;
	[tilespmem:$0x4100] =	vst v63  }
0x6c: {  	_ = 	snop  }
0x6d: {  	[hbm4b:s15+s3] =	stream.linear.scatter [tilespmem:s3], [sflag:$0x1], $0x4000, $0x38;
	[tilespmem:$0x4100] =	vst v63  }
0x6e: {  	_ = 	snop  }
0x6f: {  	[hbm4b:s16+s3] =	stream.linear.scatter [tilespmem:s3], [sflag:$0x1], $0x4000, $0x38;
	[tilespmem:$0x4100] =	vst v63  }
0x70: {  	_ = 	snop  }
0x71: {  	[hbm4b:s17+s3] =	stream.linear.scatter [tilespmem:s3], [sflag:$0x1], $0x4000, $0x38;
	[tilespmem:$0x4100] =	vst v63  }
0x72: {  	_ = 	snop  }
0x73: {  	[hbm4b:s18+s3] =	stream.linear.scatter [tilespmem:s3], [sflag:$0x1], $0x4000, $0x38;
	[tilespmem:$0x4100] =	vst v63  }
0x74: {  	_ = 	snop  }
0x75: {  	[hbm4b:s19+s3] =	stream.linear.scatter [tilespmem:s3], [sflag:$0x1], $0x4000, $0x38;
	[tilespmem:$0x4100] =	vst v63  }
0x76: {  	_ = 	snop  }
0x77: {  	[hbm4b:s20+s3] =	stream.linear.scatter [tilespmem:s3], [sflag:$0x1], $0x4000, $0x38;
	[tilespmem:$0x4100] =	vst v63  }
0x78: {  	_ = 	snop  }
0x79: {  	[hbm4b:s21+s3] =	stream.linear.scatter [tilespmem:s3], [sflag:$0x1], $0x4000, $0x38;
	[tilespmem:$0x4100] =	vst v63  }
0x7a: {  	_ = 	snop  }
0x7b: {  	[hbm4b:s22+s3] =	stream.linear.scatter [tilespmem:s3], [sflag:$0x1], $0x4000, $0x38;
	[tilespmem:$0x4100] =	vst v63  }
0x7c: {  	_ = 	snop  }
0x7d: {  	[hbm4b:s23+s3] =	stream.linear.scatter [tilespmem:s3], [sflag:$0x1], $0x4000, $0x38;
	[tilespmem:$0x4100] =	vst v63  }
0x7e: {  	_ = 	snop  }
0x7f: {  	[hbm4b:s24+s3] =	stream.linear.scatter [tilespmem:s3], [sflag:$0x1], $0x4000, $0x38;
	[tilespmem:$0x4100] =	vst v63  }
0x80: {  	_ =	swait.ge [sflag:s0], $0x4000  }
0x81: {  	[sflag:s0] =	ssyncset.done $0x0  }
0x82: {  	[sflag:s0] =	ssyncadd.s32 $0xFFFFC000  }
0x83: {  	_ =	swait.ge [sflag:s0], $0x4000  }
0x84: {  	[sflag:s0] =	ssyncset.done $0x0  }
0x85: {  	[sflag:s0] =	ssyncadd.s32 $0xFFFFC000  }
0x86: {  	_ =	swait.ge [sflag:s0], $0x4000  }
0x87: {  	[sflag:s0] =	ssyncset.done $0x0  }
0x88: {  	[sflag:s0] =	ssyncadd.s32 $0xFFFFC000  }
0x89: {  	_ =	swait.ge [sflag:s0], $0x4000  }
0x8a: {  	[sflag:s0] =	ssyncset.done $0x0  }
0x8b: {  	[sflag:s0] =	ssyncadd.s32 $0xFFFFC000  }
0x8c: {  	_ =	swait.ge [sflag:s0], $0x4000  }
0x8d: {  	[sflag:s0] =	ssyncset.done $0x0  }
0x8e: {  	[sflag:s0] =	ssyncadd.s32 $0xFFFFC000  }
0x8f: {  	_ =	swait.ge [sflag:s0], $0x4000  }
0x90: {  	[sflag:s0] =	ssyncset.done $0x0  }
0x91: {  	[sflag:s0] =	ssyncadd.s32 $0xFFFFC000  }
0x92: {  	_ =	swait.ge [sflag:s0], $0x4000  }
0x93: {  	[sflag:s0] =	ssyncset.done $0x0  }
0x94: {  	[sflag:s0] =	ssyncadd.s32 $0xFFFFC000  }
0x95: {  	_ =	swait.ge [sflag:s0], $0x4000  }
0x96: {  	[sflag:s0] =	ssyncset.done $0x0  }
0x97: {  	[sflag:s0] =	ssyncadd.s32 $0xFFFFC000  }
0x98: {  	_ =	swait.ge [sflag:s0], $0x4000  }
0x99: {  	[sflag:s0] =	ssyncset.done $0x0  }
0x9a: {  	[sflag:s0] =	ssyncadd.s32 $0xFFFFC000  }
0x9b: {  	_ =	swait.ge [sflag:s0], $0x4000  }
0x9c: {  	[sflag:s0] =	ssyncset.done $0x0  }
0x9d: {  	[sflag:s0] =	ssyncadd.s32 $0xFFFFC000  }
0x9e: {  	_ =	swait.ge [sflag:s0], $0x4000  }
0x9f: {  	[sflag:s0] =	ssyncset.done $0x0  }
0xa0: {  	[sflag:s0] =	ssyncadd.s32 $0xFFFFC000  }
0xa1: {  	_ =	swait.ge [sflag:s0], $0x4000  }
0xa2: {  	[sflag:s0] =	ssyncset.done $0x0  }
0xa3: {  	[sflag:s0] =	ssyncadd.s32 $0xFFFFC000  }
0xa4: {  	_ =	swait.ge [sflag:s0], $0x4000  }
0xa5: {  	[sflag:s0] =	ssyncset.done $0x0  }
0xa6: {  	[sflag:s0] =	ssyncadd.s32 $0xFFFFC000  }
0xa7: {  	_ =	swait.ge [sflag:s0], $0x4000  }
0xa8: {  	[sflag:s0] =	ssyncset.done $0x0  }
0xa9: {  	s2 =	sadd.s32 $0x1, s2;
	[sflag:s0] =	ssyncadd.s32 $0xFFFFC000  }
0xaa: {  	p0 =	sne.s32 s2, s6;
	_ =	swait.ge [sflag:s0], $0x4000  }
.Ltmp1:
0xab: {  	[sflag:s0] =	ssyncset.done $0x0;
	(pc) =	sbr.rel @p0 .LBB2_1-.Ltmp1, $4  }
0xac: {  	[sflag:s0] =	ssyncadd.s32 $0xFFFFC000  }
0xad: {  	_ =	swait.ge [sflag:s0], $0x4000  }
0xae: {  	[sflag:s0] =	ssyncset.done $0x0  }
0xaf: {  	[sflag:s0] =	ssyncadd.s32 $0xFFFFC000  }
0xb0: {  	_ =	sfence.sel $0x180000  }
0xb1: {  	[bflag:$0x0] =	sbarrier.arrive $0xFFFF  }
0xb2: {  	_ =	strace $0x90000047  }
0xb3: {  	s0 =	stileid.u32;
	[bflag:$0x2] =	sbarrier.arrive $0xFFFF  }
0xb4: {  	p0 =	sne.s32 s0, $0x0;
	s0 =	rddreg [dreg:$0x3]  }
0xb5: {  	s0 =	sadd.s32 @!p0 $0x100000, s0  }
0xb6: {  	[sflag:s0] =	ssyncadd.tile.s32 @!p0 $0x1;
	_ =	shalt  }
.Lfunc_end2:
_tile_overlayer_lowered:
.L_overlay_start_2:
0xb7: {  	(tag) =	ssettag $0x2  }
0xb8: {  	s0 =	rddreg [dreg:$0x0];
	s2 =	stileid.u32  }
0xb9: {  	s1 =	rddreg [dreg:$0x1];
	p0 =	sne.s32 s2, $0x0  }
0xba: {  	s3 =	rddreg [dreg:$0x2];
	[bflag:$0x3] =	sbarrier.arrive $0xFFFF;
	s2 =	simm.s32 @!p0 $0x1C02  }
0xbb: {  	[timem:s3], [sflag:s2] =	dma.local @!p0 [hbm:s0], s1  }
0xbc: {  	s0 =	simm.s32 @!p0 $0x2  }
0xbd: {  	_ =	swait.ge @!p0 [sflag:s0], s1  }
0xbe: {  	s1 =	ssub.s32 @!p0 $0x0, s1;
	[sflag:s0] =	ssyncset.done @!p0 $0x0  }
0xbf: {  	[sflag:s0] =	ssyncadd.s32 @!p0 s1  }
0xc0: {  	[bflag:$0x3] =	sbarrier.arrive $0xFFFF  }
0xc1: {  	_ =	shalt  }

</sc_bundles>
